<compile_context>
chip_gen: v7x
topology: tpu7x:2x2x1
jax: 0.10.2.dev20260603
libtpu: 0.0.44.dev20260713+nightly
codegen_flags: <defaults>
</compile_context>

<pallas_src>
import functools

import jax
import jax.numpy as jnp
from jax import lax
from jax.experimental import pallas as pl
from jax.experimental.pallas import tpu as pltpu
from jax.experimental.pallas import tpu_sc as plsc

_N = 12
_K = 4
_BETA = 0.8
_BIAS = 2.0
_L = 16


def _softplus16(a):
    t = jnp.exp(-jnp.abs(a))
    z = t / (t + 2.0)
    z2 = z * z
    p = 1.0 + z2 * (1.0 / 3.0 + z2 * (1.0 / 5.0 + z2 * (
        1.0 / 7.0 + z2 * (1.0 / 9.0 + z2 * (1.0 / 11.0 + z2 * (1.0 / 13.0))))))
    return jnp.maximum(a, 0.0) + 2.0 * z * p


def _sc_body(w_hbm, p_hbm, nz_hbm, out_hbm,
             w_v, p_v, nz_v, adj_v, rm_v, m_v, res_v,
             msh, sem):
    t = lax.axis_index("s")
    lanes = lax.iota(jnp.int32, _L)
    valid = lanes < _N
    lanes_c = jnp.where(valid, lanes, 0)

    @pl.when(t < _N)
    def _phase1():
        cp_w = pltpu.async_copy(w_hbm, w_v, sem)
        cp_p = pltpu.async_copy(p_hbm, p_v, sem)
        cp_n = pltpu.async_copy(nz_hbm, nz_v, sem)
        topm = lanes < _K
        row_idx = _N * t + lanes_c
        col_idx = t + _N * lanes_c
        cp_w.wait()
        cp_p.wait()
        cp_n.wait()
        w = plsc.load_gather(w_v, [row_idx])
        wt = plsc.load_gather(w_v, [col_idx])
        p = plsc.load_gather(p_v, [row_idx])
        nz = plsc.load_gather(nz_v, [row_idx])
        a = 0.5 * (w + wt) + _BETA * p - _BIAS
        sp = _softplus16(a)
        notdiag = lanes != t
        adjrow = jnp.where(jnp.logical_and(valid, notdiag), sp, 0.0)
        adj_v[...] = adjrow
        b = jnp.where(valid, adjrow + nz, -1.0)
        _, svals = plsc.sort_key_val(b, lanes, descending=True)
        rm_v[...] = jnp.zeros((_L,), jnp.float32)
        plsc.store_scatter(rm_v, [svals], jnp.ones((_L,), jnp.float32),
                           mask=topm)
        pltpu.sync_copy(rm_v, msh.at[pl.ds(_L * t, _L)])

    plsc.subcore_barrier()

    @pl.when(t < _N)
    def _phase2():
        pltpu.sync_copy(msh, m_v)
        colv = plsc.load_gather(m_v, [_L * lanes_c + t])
        sym = jnp.maximum(rm_v[...], colv)
        res = jnp.where(lanes == t, 0.0, adj_v[...] * sym)
        res_v[...] = res
        pltpu.sync_copy(res_v, out_hbm.at[t])


_sc_call = functools.partial(
    pl.kernel,
    mesh=plsc.VectorSubcoreMesh(core_axis_name="c", subcore_axis_name="s",
                                num_cores=1),
    out_type=jax.ShapeDtypeStruct((_N, _L), jnp.float32),
    scratch_types=[
        pltpu.VMEM((_N * _N,), jnp.float32),
        pltpu.VMEM((_N * _N,), jnp.float32),
        pltpu.VMEM((_N * _N,), jnp.float32),
        pltpu.VMEM((_L,), jnp.float32),
        pltpu.VMEM((_L,), jnp.float32),
        pltpu.VMEM((_N * _L,), jnp.float32),
        pltpu.VMEM((_L,), jnp.float32),
        pltpu.VMEM_SHARED((_N * _L,), jnp.float32),
        pltpu.SemaphoreType.DMA,
    ],
    compiler_params=pltpu.CompilerParams(needs_layout_passes=False),
)(_sc_body)


def kernel(W, P):
    W = W.astype(jnp.float32).reshape(_N * _N)
    P = P.astype(jnp.float32).reshape(_N * _N)
    noise = (jax.random.uniform(jax.random.key(1), (_N, _N),
                                dtype=jnp.float32) * 0.01).reshape(_N * _N)
    return _sc_call(W, P, noise)[:, :_N]

# --- scband reference (transcript-rebuilt; emitter-appended) ---
"""Pipeline reference for scband-graph-prior-49520972923121 (READ-ONLY COPY).

The authoritative reference and input builder live on the scoring server;
editing this copy changes nothing except your own understanding.
"""

import jax, jax.numpy as jnp
import numpy as np

FEATURE_COLUMNS = ['airspeed', 'phi', 'psi', 'theta', 'Ax', 'Ay', 'Az', 'Gx', 'Gy', 'Gz', 'C1', 'C2']


def build_uav_prior():
    feature_to_idx = {name: idx for idx, name in enumerate(FEATURE_COLUMNS)}
    prior = np.zeros((len(FEATURE_COLUMNS), len(FEATURE_COLUMNS)), dtype=np.float32)

    def add_edge(a, b, weight):
        i = feature_to_idx[a]
        j = feature_to_idx[b]
        prior[i, j] = weight
        prior[j, i] = weight

    add_edge('phi', 'Gz', 0.9)
    add_edge('theta', 'C2', 0.8)
    add_edge('Ax', 'Az', 0.7)
    add_edge('C1', 'C2', 0.7)
    add_edge('Gx', 'C1', 0.6)
    add_edge('theta', 'C1', 0.6)
    add_edge('Az', 'Gy', 0.4)
    add_edge('theta', 'Gx', 0.4)
    add_edge('Gx', 'C2', 0.4)
    add_edge('Ay', 'Az', 0.3)
    add_edge('airspeed', 'C2', 0.3)
    add_edge('airspeed', 'Gy', 0.2)
    add_edge('phi', 'Ay', 0.2)
    add_edge('Ay', 'Gz', 0.2)
    add_edge('airspeed', 'C1', 0.2)
    np.fill_diagonal(prior, 0.0)
    return prior

N_NODES = 12
K = 4
BETA = 0.8
BIAS = 2.0
INIT_STD = 0.05


def setup_inputs(seed: int = 0) -> dict:
    key = jax.random.key(seed)
    W = jax.random.normal(key, (N_NODES, N_NODES), dtype=jnp.float32) * INIT_STD
    P = jnp.asarray(build_uav_prior(), dtype=jnp.float32)
    return {"W": W, "P": P}


def _symmetric_topk_mask(adj, k):
    n = adj.shape[0]
    kk = min(k, adj.shape[1])
    noise = jax.random.uniform(jax.random.key(1), adj.shape, dtype=adj.dtype) * 0.01
    _, indices = jax.lax.top_k(adj + noise, kk)
    mask = jnp.zeros_like(adj).at[jnp.arange(n)[:, None], indices].set(1.0)
    mask = ((mask + mask.T) > 0).astype(adj.dtype)
    mask = mask - jnp.diag(jnp.diag(mask))
    return mask


def reference(W, P):
    adj = 0.5 * (W + W.T)
    adj = jax.nn.softplus(adj + BETA * P - BIAS)
    adj = adj - jnp.diag(jnp.diag(adj))
    if K and K > 0:
        mask = _symmetric_topk_mask(adj, K)
        adj = adj * mask
        adj = 0.5 * (adj + adj.T)
        adj = adj - jnp.diag(jnp.diag(adj))
    return adj

if __name__ == "__main__":
    import jax
    _d = setup_inputs()
    print(jax.jit(kernel)(*tuple(_d.values())))

</pallas_src>

<mosaic_0001>
#map = affine_map<(d0, d1) -> (0)>
#map1 = affine_map<(d0, d1) -> (0, 0)>
module attributes {stable_mosaic.version = 14 : i64} {
  func.func @_sc_body(%arg0: i32, %arg1: i32, %arg2: memref<144xf32, #tpu.memory_space<hbm>>, %arg3: memref<144xf32, #tpu.memory_space<hbm>>, %arg4: memref<144xf32, #tpu.memory_space<hbm>>, %arg5: memref<12x16xf32, #tpu.memory_space<hbm>>, %arg6: memref<144xf32, #tpu.memory_space<vmem>>, %arg7: memref<144xf32, #tpu.memory_space<vmem>>, %arg8: memref<144xf32, #tpu.memory_space<vmem>>, %arg9: memref<16xf32, #tpu.memory_space<vmem>>, %arg10: memref<16xf32, #tpu.memory_space<vmem>>, %arg11: memref<192xf32, #tpu.memory_space<vmem>>, %arg12: memref<16xf32, #tpu.memory_space<vmem>>, %arg13: memref<192xf32, #tpu.memory_space<vmem_shared>>, %arg14: memref<!tpu.dma_semaphore, #tpu.memory_space<semaphore_mem>>) attributes {dimension_semantics = [#tpu.dimension_semantics<core_parallel>, #tpu.dimension_semantics<subcore_parallel>], iteration_bounds = array<i64: 1, 16>, scalar_prefetch = 0 : i64, scratch_operands = 9 : i64, tpu.core_type = #tpu.core_type<sc_vector_subcore>, window_params = [{transform_indices = #map}, {transform_indices = #map}, {transform_indices = #map}, {transform_indices = #map1}]} {
    %iota3A = tpu.iota {dimensions = array<i32: 0>} : vector<16xi32>
    %lt3A = arith.constant 12 : i32
    %lt3A_0 = vector.broadcast %lt3A : i32 to vector<16xi32>
    %lt3A_1 = arith.cmpi slt, %iota3A, %lt3A_0 : vector<16xi32>
    %jit3A = arith.constant 0 : i32
    %broadcast_in_dim3A = vector.broadcast %jit3A : i32 to vector<16xi32>
    %select_n3A = arith.select %lt3A_1, %iota3A, %broadcast_in_dim3A : vector<16xi1>, vector<16xi32>
    %lt3A_2 = arith.constant 12 : i32
    %lt3A_3 = arith.cmpi slt, %arg1, %lt3A_2 : i32
    %convert_element_type3A = arith.extui %lt3A_3 : i1 to i32
    %cond3A = arith.constant 0 : i32
    %cond3A_4 = arith.cmpi ne, %convert_element_type3A, %cond3A : i32
    scf.if %cond3A_4 {
      tpu.enqueue_dma source(%arg2 : memref<144xf32, #tpu.memory_space<hbm>>) target(%arg6 : memref<144xf32, #tpu.memory_space<vmem>>) target_semaphore(%arg14 : memref<!tpu.dma_semaphore, #tpu.memory_space<semaphore_mem>>)
      tpu.enqueue_dma source(%arg3 : memref<144xf32, #tpu.memory_space<hbm>>) target(%arg7 : memref<144xf32, #tpu.memory_space<vmem>>) target_semaphore(%arg14 : memref<!tpu.dma_semaphore, #tpu.memory_space<semaphore_mem>>)
      tpu.enqueue_dma source(%arg4 : memref<144xf32, #tpu.memory_space<hbm>>) target(%arg8 : memref<144xf32, #tpu.memory_space<vmem>>) target_semaphore(%arg14 : memref<!tpu.dma_semaphore, #tpu.memory_space<semaphore_mem>>)
      %lt3A_10 = arith.constant 4 : i32
      %lt3A_11 = vector.broadcast %lt3A_10 : i32 to vector<16xi32>
      %lt3A_12 = arith.cmpi slt, %iota3A, %lt3A_11 : vector<16xi32>
      %mul3A = arith.constant 12 : i32
      %mul3A_13 = arith.muli %mul3A, %arg1 : i32
      %add3A = vector.broadcast %mul3A_13 : i32 to vector<16xi32>
      %add3A_14 = arith.addi %add3A, %select_n3A : vector<16xi32>
      %mul3A_15 = arith.constant 12 : i32
      %mul3A_16 = vector.broadcast %mul3A_15 : i32 to vector<16xi32>
      %mul3A_17 = arith.muli %mul3A_16, %select_n3A : vector<16xi32>
      %add3A_18 = vector.broadcast %arg1 : i32 to vector<16xi32>
      %add3A_19 = arith.addi %add3A_18, %mul3A_17 : vector<16xi32>
      tpu.wait_dma2 semaphore(%arg14 : memref<!tpu.dma_semaphore, #tpu.memory_space<semaphore_mem>>) src(%arg2 : memref<144xf32, #tpu.memory_space<hbm>>) dst(%arg6 : memref<144xf32, #tpu.memory_space<vmem>>)
      tpu.wait_dma2 semaphore(%arg14 : memref<!tpu.dma_semaphore, #tpu.memory_space<semaphore_mem>>) src(%arg3 : memref<144xf32, #tpu.memory_space<hbm>>) dst(%arg7 : memref<144xf32, #tpu.memory_space<vmem>>)
      tpu.wait_dma2 semaphore(%arg14 : memref<!tpu.dma_semaphore, #tpu.memory_space<semaphore_mem>>) src(%arg4 : memref<144xf32, #tpu.memory_space<hbm>>) dst(%arg8 : memref<144xf32, #tpu.memory_space<vmem>>)
      %gather3A = tpu.vector_load_idx %arg6[%add3A_14] : memref<144xf32, #tpu.memory_space<vmem>>[vector<16xi32>], vector<16xf32>,
      %gather3A_20 = tpu.vector_load_idx %arg6[%add3A_19] : memref<144xf32, #tpu.memory_space<vmem>>[vector<16xi32>], vector<16xf32>,
      %gather3A_21 = tpu.vector_load_idx %arg7[%add3A_14] : memref<144xf32, #tpu.memory_space<vmem>>[vector<16xi32>], vector<16xf32>,
      %gather3A_22 = tpu.vector_load_idx %arg8[%add3A_14] : memref<144xf32, #tpu.memory_space<vmem>>[vector<16xi32>], vector<16xf32>,
      %add3A_23 = arith.addf %gather3A, %gather3A_20 : vector<16xf32>
      %mul3A_24 = arith.constant 5.000000e-01 : f32
      %mul3A_25 = vector.broadcast %mul3A_24 : f32 to vector<16xf32>
      %mul3A_26 = arith.mulf %mul3A_25, %add3A_23 : vector<16xf32>
      %mul3A_27 = arith.constant 8.000000e-01 : f32
      %mul3A_28 = vector.broadcast %mul3A_27 : f32 to vector<16xf32>
      %mul3A_29 = arith.mulf %mul3A_28, %gather3A_21 : vector<16xf32>
      %add3A_30 = arith.addf %mul3A_26, %mul3A_29 : vector<16xf32>
      %sub3A = arith.constant 2.000000e+00 : f32
      %sub3A_31 = vector.broadcast %sub3A : f32 to vector<16xf32>
      %sub3A_32 = arith.subf %add3A_30, %sub3A_31 : vector<16xf32>
      %abs3A = math.absf %sub3A_32 : vector<16xf32>
      %neg3A = arith.constant 0.000000e+00 : f32
      %neg3A_33 = vector.broadcast %neg3A : f32 to vector<16xf32>
      %neg3A_34 = arith.subf %neg3A_33, %abs3A : vector<16xf32>
      %exp3A = math.exp %neg3A_34 : vector<16xf32>
      %add3A_35 = arith.constant 2.000000e+00 : f32
      %add3A_36 = vector.broadcast %add3A_35 : f32 to vector<16xf32>
      %add3A_37 = arith.addf %exp3A, %add3A_36 : vector<16xf32>
      %div3A = arith.divf %exp3A, %add3A_37 : vector<16xf32>
      %mul3A_38 = arith.mulf %div3A, %div3A : vector<16xf32>
      %mul3A_39 = arith.constant 0.0769230798 : f32
      %mul3A_40 = vector.broadcast %mul3A_39 : f32 to vector<16xf32>
      %mul3A_41 = arith.mulf %mul3A_38, %mul3A_40 : vector<16xf32>
      %add3A_42 = arith.constant 0.0909090936 : f32
      %add3A_43 = vector.broadcast %add3A_42 : f32 to vector<16xf32>
      %add3A_44 = arith.addf %add3A_43, %mul3A_41 : vector<16xf32>
      %mul3A_45 = arith.mulf %mul3A_38, %add3A_44 : vector<16xf32>
      %add3A_46 = arith.constant 0.111111112 : f32
      %add3A_47 = vector.broadcast %add3A_46 : f32 to vector<16xf32>
      %add3A_48 = arith.addf %add3A_47, %mul3A_45 : vector<16xf32>
      %mul3A_49 = arith.mulf %mul3A_38, %add3A_48 : vector<16xf32>
      %add3A_50 = arith.constant 0.142857149 : f32
      %add3A_51 = vector.broadcast %add3A_50 : f32 to vector<16xf32>
      %add3A_52 = arith.addf %add3A_51, %mul3A_49 : vector<16xf32>
      %mul3A_53 = arith.mulf %mul3A_38, %add3A_52 : vector<16xf32>
      %add3A_54 = arith.constant 2.000000e-01 : f32
      %add3A_55 = vector.broadcast %add3A_54 : f32 to vector<16xf32>
      %add3A_56 = arith.addf %add3A_55, %mul3A_53 : vector<16xf32>
      %mul3A_57 = arith.mulf %mul3A_38, %add3A_56 : vector<16xf32>
      %add3A_58 = arith.constant 0.333333343 : f32
      %add3A_59 = vector.broadcast %add3A_58 : f32 to vector<16xf32>
      %add3A_60 = arith.addf %add3A_59, %mul3A_57 : vector<16xf32>
      %mul3A_61 = arith.mulf %mul3A_38, %add3A_60 : vector<16xf32>
      %add3A_62 = arith.constant 1.000000e+00 : f32
      %add3A_63 = vector.broadcast %add3A_62 : f32 to vector<16xf32>
      %add3A_64 = arith.addf %add3A_63, %mul3A_61 : vector<16xf32>
      %max3A = arith.constant 0.000000e+00 : f32
      %max3A_65 = vector.broadcast %max3A : f32 to vector<16xf32>
      %max3A_66 = arith.maximumf %sub3A_32, %max3A_65 : vector<16xf32>
      %mul3A_67 = arith.constant 2.000000e+00 : f32
      %mul3A_68 = vector.broadcast %mul3A_67 : f32 to vector<16xf32>
      %mul3A_69 = arith.mulf %mul3A_68, %div3A : vector<16xf32>
      %mul3A_70 = arith.mulf %mul3A_69, %add3A_64 : vector<16xf32>
      %add3A_71 = arith.addf %max3A_66, %mul3A_70 : vector<16xf32>
      %ne3A = vector.broadcast %arg1 : i32 to vector<16xi32>
      %ne3A_72 = arith.cmpi ne, %iota3A, %ne3A : vector<16xi32>
      %and3A = arith.andi %lt3A_1, %ne3A_72 : vector<16xi1>
      %jit3A_73 = arith.constant 0.000000e+00 : f32
      %broadcast_in_dim3A_74 = vector.broadcast %jit3A_73 : f32 to vector<16xf32>
      %select_n3A_75 = arith.select %and3A, %add3A_71, %broadcast_in_dim3A_74 : vector<16xi1>, vector<16xf32>
      %swap3A = arith.constant 0 : index
      %swap3A_76 = tpu.vector_load %arg9[%swap3A] {strides = array<i32>} : memref<16xf32, #tpu.memory_space<vmem>>, vector<16xf32>,
      tpu.vector_store %arg9[%swap3A], %select_n3A_75 {strides = array<i32>} : memref<16xf32, #tpu.memory_space<vmem>>, vector<16xf32>,
      %add3A_77 = arith.addf %select_n3A_75, %gather3A_22 : vector<16xf32>
      %jit3A_78 = arith.constant -1.000000e+00 : f32
      %broadcast_in_dim3A_79 = vector.broadcast %jit3A_78 : f32 to vector<16xf32>
      %select_n3A_80 = arith.select %lt3A_1, %add3A_77, %broadcast_in_dim3A_79 : vector<16xi1>, vector<16xf32>
      %masked_sort3A = arith.constant dense<true> : vector<16xi1>
      %masked_sort3A_81, %masked_sort3A_82, %masked_sort3A_83 = tpu.sort %select_n3A_80, %iota3A masked %masked_sort3A {descending = true} : (vector<16xf32>, vector<16xi32>, vector<16xi1>) -> (vector<16xi1>, vector<16xf32>, vector<16xi32>)
      %broadcast_in_dim3A_84 = arith.constant 0.000000e+00 : f32
      %broadcast_in_dim3A_85 = vector.broadcast %broadcast_in_dim3A_84 : f32 to vector<16xf32>
      %swap3A_86 = arith.constant 0 : index
      %swap3A_87 = tpu.vector_load %arg10[%swap3A_86] {strides = array<i32>} : memref<16xf32, #tpu.memory_space<vmem>>, vector<16xf32>,
      tpu.vector_store %arg10[%swap3A_86], %broadcast_in_dim3A_85 {strides = array<i32>} : memref<16xf32, #tpu.memory_space<vmem>>, vector<16xf32>,
      %broadcast_in_dim3A_88 = arith.constant 1.000000e+00 : f32
      %broadcast_in_dim3A_89 = vector.broadcast %broadcast_in_dim3A_88 : f32 to vector<16xf32>
      tpu.vector_store_idx %arg10[%masked_sort3A_83], %broadcast_in_dim3A_89 masked %lt3A_12 : memref<16xf32, #tpu.memory_space<vmem>>[vector<16xi32>], vector<16xf32>, vector<16xi1>
      %mul3A_90 = arith.constant 16 : i32
      %mul3A_91 = arith.muli %mul3A_90, %arg1 : i32
      "tpu.region"() ({
        %run_scoped3A = tpu.sem_alloc : memref<!tpu.dma_semaphore, #tpu.memory_space<semaphore_mem>>
        %dma_start3A = tpu.memref_slice %arg13[%mul3A_91] : memref<192xf32, #tpu.memory_space<vmem_shared>> -> memref<16xf32, #tpu.memory_space<vmem_shared>>
        %dma_start3A_92 = tpu.memref_slice %arg13[%mul3A_91] : memref<192xf32, #tpu.memory_space<vmem_shared>> -> memref<16xf32, #tpu.memory_space<vmem_shared>>
        tpu.enqueue_dma source(%arg10 : memref<16xf32, #tpu.memory_space<vmem>>) target(%dma_start3A_92 : memref<16xf32, #tpu.memory_space<vmem_shared>>) target_semaphore(%run_scoped3A : memref<!tpu.dma_semaphore, #tpu.memory_space<semaphore_mem>>)
        %dma_wait3A = tpu.memref_slice %arg13[%mul3A_91] : memref<192xf32, #tpu.memory_space<vmem_shared>> -> memref<16xf32, #tpu.memory_space<vmem_shared>>
        %dma_wait3A_93 = tpu.memref_slice %arg13[%mul3A_91] : memref<192xf32, #tpu.memory_space<vmem_shared>> -> memref<16xf32, #tpu.memory_space<vmem_shared>>
        tpu.wait_dma2 semaphore(%run_scoped3A : memref<!tpu.dma_semaphore, #tpu.memory_space<semaphore_mem>>) src(%arg10 : memref<16xf32, #tpu.memory_space<vmem>>) dst(%dma_wait3A_93 : memref<16xf32, #tpu.memory_space<vmem_shared>>)
        tpu.yield
      }) : () -> ()
    } else {
    }
    %barrier3A = arith.constant 0 : index
    tpu.barrier barrier_id(%barrier3A)
    %lt3A_5 = arith.constant 12 : i32
    %lt3A_6 = arith.cmpi slt, %arg1, %lt3A_5 : i32
    %convert_element_type3A_7 = arith.extui %lt3A_6 : i1 to i32
    %cond3A_8 = arith.constant 0 : i32
    %cond3A_9 = arith.cmpi ne, %convert_element_type3A_7, %cond3A_8 : i32
    scf.if %cond3A_9 {
      "tpu.region"() ({
        %run_scoped3A = tpu.sem_alloc : memref<!tpu.dma_semaphore, #tpu.memory_space<semaphore_mem>>
        tpu.enqueue_dma source(%arg13 : memref<192xf32, #tpu.memory_space<vmem_shared>>) target(%arg11 : memref<192xf32, #tpu.memory_space<vmem>>) target_semaphore(%run_scoped3A : memref<!tpu.dma_semaphore, #tpu.memory_space<semaphore_mem>>)
        tpu.wait_dma2 semaphore(%run_scoped3A : memref<!tpu.dma_semaphore, #tpu.memory_space<semaphore_mem>>) src(%arg13 : memref<192xf32, #tpu.memory_space<vmem_shared>>) dst(%arg11 : memref<192xf32, #tpu.memory_space<vmem>>)
        tpu.yield
      }) : () -> ()
      %mul3A = arith.constant 16 : i32
      %mul3A_10 = vector.broadcast %mul3A : i32 to vector<16xi32>
      %mul3A_11 = arith.muli %mul3A_10, %select_n3A : vector<16xi32>
      %add3A = vector.broadcast %arg1 : i32 to vector<16xi32>
      %add3A_12 = arith.addi %mul3A_11, %add3A : vector<16xi32>
      %gather3A = tpu.vector_load_idx %arg11[%add3A_12] : memref<192xf32, #tpu.memory_space<vmem>>[vector<16xi32>], vector<16xf32>,
      %get3A = arith.constant 0 : index
      %get3A_13 = tpu.vector_load %arg10[%get3A] {strides = array<i32>} : memref<16xf32, #tpu.memory_space<vmem>>, vector<16xf32>,
      %max3A = arith.maximumf %get3A_13, %gather3A : vector<16xf32>
      %eq3A = vector.broadcast %arg1 : i32 to vector<16xi32>
      %eq3A_14 = arith.cmpi eq, %iota3A, %eq3A : vector<16xi32>
      %get3A_15 = arith.constant 0 : index
      %get3A_16 = tpu.vector_load %arg9[%get3A_15] {strides = array<i32>} : memref<16xf32, #tpu.memory_space<vmem>>, vector<16xf32>,
      %mul3A_17 = arith.mulf %get3A_16, %max3A : vector<16xf32>
      %jit3A_18 = arith.constant 0.000000e+00 : f32
      %broadcast_in_dim3A_19 = vector.broadcast %jit3A_18 : f32 to vector<16xf32>
      %select_n3A_20 = arith.select %eq3A_14, %broadcast_in_dim3A_19, %mul3A_17 : vector<16xi1>, vector<16xf32>
      %swap3A = arith.constant 0 : index
      %swap3A_21 = tpu.vector_load %arg12[%swap3A] {strides = array<i32>} : memref<16xf32, #tpu.memory_space<vmem>>, vector<16xf32>,
      tpu.vector_store %arg12[%swap3A], %select_n3A_20 {strides = array<i32>} : memref<16xf32, #tpu.memory_space<vmem>>, vector<16xf32>,
      "tpu.region"() ({
        %run_scoped3A = tpu.sem_alloc : memref<!tpu.dma_semaphore, #tpu.memory_space<semaphore_mem>>
        %dma_start3A = arith.constant 0 : i32
        %dma_start3A_22 = tpu.memref_slice %arg5[%arg1, %dma_start3A] : memref<12x16xf32, #tpu.memory_space<hbm>> -> memref<1x16xf32, #tpu.memory_space<hbm>>
        %dma_start3A_23 = tpu.memref_squeeze %dma_start3A_22 : memref<1x16xf32, #tpu.memory_space<hbm>> -> memref<16xf32, #tpu.memory_space<hbm>>
        %dma_start3A_24 = arith.constant 0 : i32
        %dma_start3A_25 = tpu.memref_slice %arg5[%arg1, %dma_start3A_24] : memref<12x16xf32, #tpu.memory_space<hbm>> -> memref<1x16xf32, #tpu.memory_space<hbm>>
        %dma_start3A_26 = tpu.memref_squeeze %dma_start3A_25 : memref<1x16xf32, #tpu.memory_space<hbm>> -> memref<16xf32, #tpu.memory_space<hbm>>
        tpu.enqueue_dma source(%arg12 : memref<16xf32, #tpu.memory_space<vmem>>) target(%dma_start3A_26 : memref<16xf32, #tpu.memory_space<hbm>>) target_semaphore(%run_scoped3A : memref<!tpu.dma_semaphore, #tpu.memory_space<semaphore_mem>>)
        %dma_wait3A = arith.constant 0 : i32
        %dma_wait3A_27 = tpu.memref_slice %arg5[%arg1, %dma_wait3A] : memref<12x16xf32, #tpu.memory_space<hbm>> -> memref<1x16xf32, #tpu.memory_space<hbm>>
        %dma_wait3A_28 = tpu.memref_squeeze %dma_wait3A_27 : memref<1x16xf32, #tpu.memory_space<hbm>> -> memref<16xf32, #tpu.memory_space<hbm>>
        %dma_wait3A_29 = arith.constant 0 : i32
        %dma_wait3A_30 = tpu.memref_slice %arg5[%arg1, %dma_wait3A_29] : memref<12x16xf32, #tpu.memory_space<hbm>> -> memref<1x16xf32, #tpu.memory_space<hbm>>
        %dma_wait3A_31 = tpu.memref_squeeze %dma_wait3A_30 : memref<1x16xf32, #tpu.memory_space<hbm>> -> memref<16xf32, #tpu.memory_space<hbm>>
        tpu.wait_dma2 semaphore(%run_scoped3A : memref<!tpu.dma_semaphore, #tpu.memory_space<semaphore_mem>>) src(%arg12 : memref<16xf32, #tpu.memory_space<vmem>>) dst(%dma_wait3A_31 : memref<16xf32, #tpu.memory_space<hbm>>)
        tpu.yield
      }) : () -> ()
    } else {
    }
    return
  }
}

</mosaic_0001>

<sc_bundles>
// kernel: kernel.3.cloned.1.call-start
scs
__scs_entry_jumppad:
0x0: {  	(pc) =	sbr.rel $0x88, $3  }
0x1: {  	(tag) =	ssettag $0x0;
	lr =	simm.s32 $0x1  }
0x2: {  	[smem:$0x3F9F] =	sst lr;
	_ =	strace $0xD0000000  }
0x3: {  	_ = 	snop  }
0x4: {  	_ = 	snop  }
0x5: {  	_ = 	snop  }
0x6: {  	_ = 	snop  }
0x7: {  	_ = 	snop  }
__scs_overlays_trampoline_lowered:
0x8: {  	[smem:$0x3FAE] =	sst s0  }
0x9: {  	[smem:$0x3FAF] =	sst s1  }
0xa: {  	[smem:$0x3FB0] =	sst s2  }
0xb: {  	[smem:$0x3FB1] =	sst s3  }
0xc: {  	[smem:$0x3FB2] =	sst s4  }
0xd: {  	[smem:$0x3FB3] =	sst s5  }
0xe: {  	[smem:$0x3FB4] =	sst s6  }
0xf: {  	[smem:$0x3FB5] =	sst s7  }
0x10: {  	[smem:$0x3FB6] =	sst s8  }
0x11: {  	[smem:$0x3FB7] =	sst s9;
	s0 =	simm.s32 @!p0 $0x0  }
0x12: {  	s1 =	sld [smem:$0x3F9D];
	s0 =	simm.s32 @p0 $0x1  }
0x13: {  	[smem:$0x3FB8] =	sst s0;
	s0 =	simm.s32 @!p1 $0x0  }
0x14: {  	s2 =	sld [smem:$0x3F9C];
	s0 =	simm.s32 @p1 $0x1  }
0x15: {  	[smem:$0x3FB9] =	sst s0;
	s0 =	simm.s32 @!p2 $0x0  }
0x16: {  	s3 =	sld [smem:$0x3FDB];
	s0 =	simm.s32 @p2 $0x1  }
0x17: {  	s4 =	simm.s32 $0x1BF5;
	[smem:$0x3FBB] =	sst s0  }
0x18: {  	s0 =	sld [smem:$0x3F9E];
	_ =	swait.ge [sflag:s4], $0x0  }
0x19: {  	s7 =	sld [smem:$0x3F9F]  }
0x1a: {  	s8 =	sadd.s32 $0xFFFFE003, lr  }
0x1b: {  	s9 =	sadd.s32 $0xFFFFFEF7, lr;
	s5 =	simm.s32 $0xFFFFFFFF;
	p2 =	slt.u32 s8, $0xFFFFF086  }
0x1c: {  	p1 =	slt.u32 s9, $0xF7A;
	s5 =	simm.s32 @!p2 $0x0  }
0x1d: {  	s5 =	simm.s32 @p1 $0x1;
	p0 =	seq.s32 s7, s2  }
0x1e: {  	s7 =	smul.u32 @!p0 $0xF7A, s2;
	p2 =	seq.s32 @!p0 s5, $0x0  }
0x1f: {  	s9 =	smul.u32 $0xF7A, s1;
	s8 =	simm.s32 @!p0 $0x1BF5;
	p2 =	por !p2, p0  }
0x20: {  	[sflag:s8] =	ssyncset.s32 @!p0 $0xFFFFF086;
	s6 =	sadd.s32 @!p0 s3, s7;
	s7 =	simm.s32 @!p0 $0x108  }
0x21: {  	s3 =	sadd.s32 s3, s9;
	s6 =	sadd.s32 @!p0 $0x88, s6;
	s7 =	simm.s32 @p2 $0x1082  }
0x22: {  	[simem:s7], [sflag:s8] =	dma.local @!p0 [hbm:s6], $0xF7A  }
0x23: {  	s9 =	sor.u32 $0xD0000000, s2;
	s6 =	simm.s32 $0x108;
	_ =	swait.ge @!p0 [sflag:s8], $0x0  }
0x24: {  	s3 =	sadd.s32 $0x88, s3;
	s6 =	simm.s32 @!p1 $0x1082;
	[sflag:s4] =	ssyncset.s32 $0xFFFFF086  }
0x25: {  	[simem:s6], [sflag:s4] =	dma.local [hbm:s3], $0xF7A  }
0x26: {  	[smem:$0x3F9F] =	sst s1;
	(tag) =	ssettag s2;
	_ =	strace s9  }
0x27: {  	s1 =	sld [smem:$0x3FAF]  }
0x28: {  	s2 =	sld [smem:$0x3FB0]  }
0x29: {  	s4 =	sld [smem:$0x3FB2]  }
0x2a: {  	p0 =	seq.s32 s5, $0x0;
	s5 =	sld [smem:$0x3FB3]  }
0x2b: {  	s6 =	sld [smem:$0x3FB4]  }
0x2c: {  	s7 =	sld [smem:$0x3FB5]  }
0x2d: {  	s3 =	simm.s32 $0x108;
	s8 =	sld [smem:$0x3FB6]  }
0x2e: {  	s3 =	simm.s32 @!p0 $0x1082;
	s9 =	sld [smem:$0x3FB7]  }
0x2f: {  	lr =	sadd.s32 s0, s3;
	s0 =	sld [smem:$0x3FAE]  }
0x30: {  	s3 =	sld [smem:$0x3FB1]  }
0x31: {  	[smem:$0x3FBA] =	sst s10  }
0x32: {  	s10 =	sld [smem:$0x3FB8];
	_ =	sdelay $0x3  }
0x33: {  	p0 =	seq.s32 s10, $0x1;
	s10 =	sld [smem:$0x3FBA];
	_ =	sdelay $0x3  }
0x34: {  	[smem:$0x3FBA] =	sst s10  }
0x35: {  	s10 =	sld [smem:$0x3FB9];
	_ =	sdelay $0x3  }
0x36: {  	p1 =	seq.s32 s10, $0x1;
	s10 =	sld [smem:$0x3FBA];
	_ =	sdelay $0x3  }
0x37: {  	[smem:$0x3FBA] =	sst s10  }
0x38: {  	s10 =	sld [smem:$0x3FBB]  }
0x39: {  	_ = 	snop;
	(pc) =	sbr.ind lr, $3  }
0x3a: {  	_ = 	snop  }
0x3b: {  	_ = 	snop  }
0x3c: {  	p2 =	seq.s32 s10, $0x1;
	s10 =	sld [smem:$0x3FBA]  }
0x3d: {  	_ =	shalt  }
0x3e: {  	_ =	shalt  }
0x3f: {  	_ =	shalt  }
0x40: {  	_ =	shalt  }
0x41: {  	_ =	shalt  }
0x42: {  	_ =	shalt  }
0x43: {  	_ =	shalt  }
0x44: {  	_ =	shalt  }
0x45: {  	_ =	shalt  }
0x46: {  	_ =	shalt  }
0x47: {  	_ =	shalt  }
0x48: {  	_ =	shalt  }
0x49: {  	_ =	shalt  }
0x4a: {  	_ =	shalt  }
0x4b: {  	_ =	shalt  }
0x4c: {  	_ =	shalt  }
0x4d: {  	_ =	shalt  }
0x4e: {  	_ =	shalt  }
0x4f: {  	_ =	shalt  }
0x50: {  	_ =	shalt  }
0x51: {  	_ =	shalt  }
0x52: {  	_ =	shalt  }
0x53: {  	_ =	shalt  }
0x54: {  	_ =	shalt  }
0x55: {  	_ =	shalt  }
0x56: {  	_ =	shalt  }
0x57: {  	_ =	shalt  }
0x58: {  	_ =	shalt  }
0x59: {  	_ =	shalt  }
0x5a: {  	_ =	shalt  }
0x5b: {  	_ =	shalt  }
0x5c: {  	_ =	shalt  }
0x5d: {  	_ =	shalt  }
0x5e: {  	_ =	shalt  }
0x5f: {  	_ =	shalt  }
0x60: {  	_ =	shalt  }
0x61: {  	_ =	shalt  }
0x62: {  	_ =	shalt  }
0x63: {  	_ =	shalt  }
0x64: {  	_ =	shalt  }
0x65: {  	_ =	shalt  }
0x66: {  	_ =	shalt  }
0x67: {  	_ =	shalt  }
0x68: {  	_ =	shalt  }
0x69: {  	_ =	shalt  }
0x6a: {  	_ =	shalt  }
0x6b: {  	_ =	shalt  }
0x6c: {  	_ =	shalt  }
0x6d: {  	_ =	shalt  }
0x6e: {  	_ =	shalt  }
0x6f: {  	_ =	shalt  }
0x70: {  	_ =	shalt  }
0x71: {  	_ =	shalt  }
0x72: {  	_ =	shalt  }
0x73: {  	_ =	shalt  }
0x74: {  	_ =	shalt  }
0x75: {  	_ =	shalt  }
0x76: {  	_ =	shalt  }
0x77: {  	_ =	shalt  }
0x78: {  	_ =	shalt  }
0x79: {  	_ =	shalt  }
0x7a: {  	_ =	shalt  }
0x7b: {  	_ =	shalt  }
0x7c: {  	_ =	shalt  }
0x7d: {  	_ =	shalt  }
0x7e: {  	_ =	shalt  }
0x7f: {  	_ =	shalt  }
0x80: {  	_ =	shalt  }
0x81: {  	_ =	shalt  }
0x82: {  	_ =	shalt  }
0x83: {  	_ =	shalt  }
0x84: {  	_ =	shalt  }
0x85: {  	_ =	shalt  }
0x86: {  	_ =	shalt  }
0x87: {  	_ =	shalt  }
.Lfunc_end0:
.L_simem_size_0:
called_computation_lowered:
.L_overlay_start_0:
0x88: {  	s0 =	sld [smem:$0x3FD9]  }
0x89: {  	s1 =	sld [smem:$0x3FFE];
	_ =	sdelay $0x3  }
0x8a: {  	s0 =	sadd.s32 s1, s0  }
0x8b: {  	[smem:$0x3FC6] =	sst s0  }
0x8c: {  	_ = 	snop  }
0x8d: {  	s0 =	sld [smem:$0x3FD0];
	(tm) =	ssettm $0x1  }
0x8e: {  	s16 =	sld [smem:$0x3FFB];
	_ =	sdelay $0x3  }
0x8f: {  	_ =	strace s16  }
0x90: {  	s1 =	sld [smem:$0x3FFC];
	_ =	sdelay $0x3  }
0x91: {  	_ =	strace s1  }
0x92: {  	s1 =	sld [smem:$0x3FFD];
	_ =	sdelay $0x3  }
0x93: {  	_ =	strace s1  }
0x94: {  	_ =	strace $0x8FFFFFFF  }
0x95: {  	s17 =	sld [smem:$0x3FDB];
	_ =	sdelay $0x1  }
0x96: {  	s2 =	simm.s32 $_scs_section_size  }
0x97: {  	s3 =	simm.s32 $_size__tile_overlayer_lowered;
	s4 =	simm.s32 $_tile_overlayer_lowered  }
0x98: {  	s20 =	simm.s32 $0x1BFF;
	s19 =	sshll.u32 s4, $0x1;
	s1 =	sadd.s32 s2, s17  }
0x99: {  	s5 =	simm.s32 $0x0;
	s18 =	sshll.u32 s3, $0x1;
	s3 =	sadd.s32 s19, s1  }
0x9a: {  	[timem:s5], [sflag:s20] =	dma.local [hbm:s3], s18  }
0x9b: {  	_ =	swait.ge [sflag:s20], s18  }
0x9c: {  	s2 =	ssub.s32 $0x0, s18;
	[sflag:s20] =	ssyncset.done $0x0  }
0x9d: {  	[sflag:s20] =	ssyncadd.s32 s2;
	_ =	sdelay $0x1  }
0x9e: {  	s21 =	simm.s32 $0x1B8B  }
0x9f: {  	_ =	swait.ge [sflag:s21], $0x1  }
0xa0: {  	[sflag:s21] =	ssyncset.done $0x0  }
0xa1: {  	s23 =	simm.s32 $0x1B8E;
	s22 =	sld [smem:$0x3FFE];
	[sflag:s21] =	ssyncadd.s32 $0xFFFFFFFF  }
0xa2: {  	s24 =	simm.s32 $execute0_lowered;
	[smem:$0x3FD2] =	sst s23  }
0xa3: {  	s3 =	sshll.u32 s24, $0x1;
	_ =	strace $0x80000046;
	[dreg:$0x1] =	wrdreg $0xFFFFFFFF  }
0xa4: {  	s25 =	simm.s32 $_size_execute0_lowered;
	s1 =	sadd.s32 s1, s3;
	[dreg:$0x0] =	wrdreg $0x0  }
0xa5: {  	s3 =	sshll.u32 s25, $0x1;
	[dreg:$0x2] =	wrdreg s1  }
0xa6: {  	[dreg:$0x3] =	wrdreg s3  }
0xa7: {  	[dreg:$0x4] =	wrdreg $0xC0  }
0xa8: {  	_ =	task [dreg:s5], $0x5FFFF  }
0xa9: {  	[dreg:$0x1] =	wrdreg $0xFFFFFFFF  }
0xaa: {  	[dreg:$0x0] =	wrdreg $0x60  }
0xab: {  	[dreg:$0x2] =	wrdreg s22  }
0xac: {  	[dreg:$0x3] =	wrdreg s0  }
0xad: {  	[dreg:$0x4] =	wrdreg $0x5800  }
0xae: {  	[dreg:$0x5] =	wrdreg $0x9  }
0xaf: {  	_ =	task.clear_ibuf [dreg:s5], $0x6FFFF;
	_ =	strace $0x90000046  }
0xb0: {  	s26 =	simm.s32 $0x9;
	_ =	strace $0x80000048  }
0xb1: {  	_ =	swait.ge [sflag:s26], $0x1  }
0xb2: {  	[sflag:s26] =	ssyncadd.s32 $0xFFFFFFFF  }
0xb3: {  	_ =	strace $0x90000048  }
0xb4: {  	_ =	sfence  }
0xb5: {  	s28 =	sld [smem:$0x0];
	_ =	sdelay $0x1  }
0xb6: {  	s29 =	srdreg.scid  }
0xb7: {  	s30 =	sshll.u32 s29, $0xD;
	s31 =	sshrl.u32 s29, $0x2  }
0xb8: {  	s2 =	sand.u32 $0x4000, s30;
	s1 =	sand.u32 $0x1, s29;
	s0 =	sadd.s32 s31, s28  }
0xb9: {  	s1 =	sor.u32 s2, s1;
	s0 =	sshll.u32 s0, $0x11  }
0xba: {  	s0 =	sor.u32 s0, s1  }
0xbb: {  	s0 =	sadd.s32 $0x8F2B, s0  }
0xbc: {  	[sflag:s0] =	ssyncadd.remote.s32 $0x1  }
0xbd: {  	_ =	sfence.sel $0xFFFF  }
0xbe: {  	[dreg:$0x0] =	wrdreg $0xFFFFFFFF;
	(pc) =	sbr.abs _section_cstart, $3  }
0xbf: {  	[dreg:$0x1] =	wrdreg $0xFFFFFFFF  }
0xc0: {  	_ =	task.clear_ibuf [dreg:s5], $0x2FFFF;
	_ =	strace $0x9FFFFFFF  }
0xc1: {  	(tm) =	ssettm $0x7FFFFFFF  }
tec
execute0_lowered:
.L_overlay_start_1:
0x0: {  	(tag) =	ssettag $0x1  }
0x1: {  	s1 =	stileid.u32  }
0x2: {  	p0 =	sgt.u32 s1, $0xB  }
.Ltmp0:
0x3: {  	s5 =	rddreg [dreg:$0x0];
	(pc) =	sbr.rel @p0 .LBB2_2-.Ltmp0, $4  }
0x4: {  	s2 =	rddreg [dreg:$0x1]  }
0x5: {  	s4 =	rddreg [dreg:$0x2];
	s3 =	simm.s32 $0x0  }
0x6: {  	[smem:$0x7FF] =	sst s3  }
0x7: {  	s0 =	rddreg [dreg:$0x3];
	_ =	strace $0x80000047  }
0x8: {  	s6 =	sadd.s32 $0x600, s5  }
0x9: {  	[tilespmem:s3], [sflag:$0x1] =	stream.linear.gather [hbm4b:s6+s3], $0x100, $0x38;
	[tilespmem:$0x590] =	vst v63  }
0xa: {  	s21 =	sadd.s32 $0x800, s5;
	s7 =	simm.s32 $0x100;
	v0 =	vimm.s32 $0x76543218  }
0xb: {  	v1 =	vimm.s32 $0x24180C30;
	v0 =	vunpack.c.l.s4.s8 v0;
	[tilespmem:s7], [sflag:$0x1] =	stream.linear.gather [hbm4b:s21+s3], $0x100, $0x38;
	[tilespmem:$0x590] =	vst v63  }
0xc: {  	s22 =	sadd.s32 $0xA00, s5;
	s23 =	simm.s32 $0x200;
	vm1 =	vcmask $0x1304;
	vm0 =	vcmask $0x2314;
	v2 =	vimm.s32 $0x54483C60;
	s24 =	simm.s32 $0x1  }
0xd: {  	v3 =	vimm.s32 $0x84786C00;
	v4 =	vimm.s32 $0xB0A0900;
	v0 =	vunpack.c.0.s8.s32 v0;
	[tilespmem:s23], [sflag:$0x1] =	stream.linear.gather [hbm4b:s22+s3], $0x100, $0x38;
	[tilespmem:$0x590] =	vst v63  }
0xe: {  	vm3 =	vcmask $0x2304;
	v1 =	vunpack.c.0.s8.s32 v1;
	v2 =	vunpack.c.0.s8.s32 v2;
	_ =	swait.ge [sflag:s24], $0x100  }
0xf: {  	v3 =	vunpack.c.0.s8.s32 v3;
	v4 =	vunpack.c.0.s8.s32 v4;
	v0 =	vand.u32 $0xF, v0;
	[sflag:s24] =	ssyncset.done $0x0  }
0x10: {  	vm2 =	vcmask $0x3324;
	s8 =	smul.u32 $0xC, s1;
	v1 =	vnsel vm1, $0x0, v1;
	v0 =	vnsel vm3, $0x0, v0;
	[sflag:s24] =	ssyncadd.s32 $0xFFFFFF00  }
0x11: {  	v48 =	vand.u32 $0xFF, v3;
	v1 =	vsel vm0, v2, v1;
	v0 =	vsel vm2, v4, v0;
	_ =	swait.ge [sflag:s24], $0x100  }
0x12: {  	v1 =	vsel vm2, v48, v1;
	v0 =	vadd.s32 s8, v0;
	[sflag:s24] =	ssyncset.done $0x0  }
0x13: {  	v1 =	vadd.s32 s1, v1;
	[sflag:s24] =	ssyncadd.s32 $0xFFFFFF00  }
0x14: {  	_ =	swait.ge [sflag:s24], $0x100  }
0x15: {  	[sflag:s24] =	ssyncset.done $0x0  }
0x16: {  	[sflag:s24] =	ssyncadd.s32 $0xFFFFFF00  }
0x17: {  	v49 =	vld.idx.msk [tilespmem:v0+s3+$0x0], $0xffff  }
0x18: {  	v1 =	vld.idx.msk [tilespmem:v1+s3+$0x0], $0xffff;
	_ =	sdelay $0x1  }
0x19: {  	v50 =	vld.idx.msk [tilespmem:v0+s7+$0x0], $0xffff;
	_ =	sdelay $0x2  }
0x1a: {  	v1 =	vadd.f32 v1, v49;
	_ =	sdelay $0x1  }
0x1b: {  	v51 =	vmul.f32 $8.000000110e-01, v50;
	v1 =	vmul.f32 $5.000000000e-01, v1;
	_ =	sdelay $0x1  }
0x1c: {  	v1 =	vadd.f32 v51, v1;
	_ =	sdelay $0x1  }
0x1d: {  	v1 =	vadd.f32 $-2.000000000e+00, v1;
	_ =	sdelay $0x1  }
0x1e: {  	v52 =	vand.u32 $0x7FFFFFFF, v1  }
0x1f: {  	v2 =	vsub.f32 $0.0e+00, v52;
	_ =	sdelay $0x1  }
0x20: {  	v2 =	vmul.f32 $1.442695020e+00, v2;
	_ =	sdelay $0x1  }
0x21: {  	(erf) = vpow2.f32 v2;
	_ =	sdelay $0x8  }
0x22: {  	v2 =	vpop (erf)  }
0x23: {  	v53 =	vadd.f32 $2.000000000e+00, v2;
	_ =	sdelay $0x1  }
0x24: {  	(erf) = vrcp.f32 v53;
	_ =	sdelay $0x8  }
0x25: {  	v3 =	vpop (erf)  }
0x26: {  	v2 =	vmul.f32 v3, v2;
	_ =	sdelay $0x1  }
0x27: {  	v3 =	vmul.f32 v2, v2;
	_ =	sdelay $0x1  }
0x28: {  	v54 =	vmul.f32 $7.692307980e-02, v3;
	_ =	sdelay $0x1  }
0x29: {  	v4 =	vadd.f32 $9.090909360e-02, v54;
	_ =	sdelay $0x1  }
0x2a: {  	v4 =	vmul.f32 v4, v3;
	_ =	sdelay $0x1  }
0x2b: {  	v4 =	vadd.f32 $1.111111120e-01, v4;
	_ =	sdelay $0x1  }
0x2c: {  	v4 =	vmul.f32 v4, v3;
	_ =	sdelay $0x1  }
0x2d: {  	v4 =	vadd.f32 $1.428571490e-01, v4;
	_ =	sdelay $0x1  }
0x2e: {  	v4 =	vmul.f32 v4, v3;
	_ =	sdelay $0x1  }
0x2f: {  	v4 =	vadd.f32 $2.000000030e-01, v4;
	_ =	sdelay $0x1  }
0x30: {  	v4 =	vmul.f32 v4, v3;
	_ =	sdelay $0x1  }
0x31: {  	v4 =	vadd.f32 $3.333333430e-01, v4;
	_ =	sdelay $0x1  }
0x32: {  	v3 =	vmul.f32 v4, v3;
	_ =	sdelay $0x1  }
0x33: {  	v2 =	vadd.f32 v2, v2;
	v3 =	vadd.f32 $1.000000000e+00, v3;
	_ =	sdelay $0x1  }
0x34: {  	v0 =	vld.idx.msk [tilespmem:v0+s23+$0x0], $0xffff;
	v2 =	vmul.f32 v3, v2  }
0x35: {  	v55 =	vmov s1;
	v56 =	vlaneseq.u32;
	v1 =	vmax.f32 v1, $0.0e+00  }
0x36: {  	vm4 =	vmmov $0xfff;
	vm14 =	vne.s32 v55, v56;
	v1 =	vadd.f32 v2, v1  }
0x37: {  	vm3 =	vmand vm14, vm4  }
0x38: {  	v1 =	vnsel vm3, $0x0, v1  }
0x39: {  	v0 =	vadd.f32 v1, v0;
	_ =	sdelay $0x1  }
0x3a: {  	v0 =	vnsel vm4, $0xBF800000, v0  }
0x3b: {  	(xrf1) =	vsort.dscd.msk.f32 $0xffff, v0, v56;
	_ =	sdelay $0xd  }
0x3c: {  	_, v0, _ =	vpop (xrf1)  }
0x3d: {  	v57 =	vimm.f32 $0.0e+00  }
0x3e: {  	v58 =	vimm.s32 $0x30201040;
	[tilespmem:$0x380] =	vst v57  }
0x3f: {  	s25 =	sshll.u32 s1, $0x4;
	v5 =	vimm.f32 $1.000000000e+00;
	s26 =	simm.s32 $0x380;
	v59 =	vimm.s32 $0x70605080;
	[tilespmem:$0x300] =	vst v1;
	v1 =	vunpack.c.0.s8.s32 v58  }
0x40: {  	v61 =	vimm.s32 $0xB0A09000;
	s29 =	simm.s32 $0x2;
	s28 =	sadd.s32 s25, s4;
	v60 =	vunpack.c.0.s8.s32 v59;
	[tilespmem:v0+s26+$0x0] =	vst.idx.msk $0xf, v5  }
0x41: {  	v2 =	vunpack.c.0.s8.s32 v61;
	v1 =	vnsel vm1, $0x0, v1;
	[spmem:s28] =	stream.linear.scatter [tilespmem:s26], [sflag:$0x2], $0x10, $0x38;
	[tilespmem:$0x590] =	vst v63  }
0x42: {  	v0 =	vsel vm0, v60, v1;
	_ =	swait.ge [sflag:s29], $0x10  }
0x43: {  	v0 =	vsel vm2, v2, v0;
	[sflag:s29] =	ssyncset.done $0x0  }
0x44: {  	v0 =	vand.u32 $0xFF, v0;
	[sflag:s29] =	ssyncadd.s32 $0xFFFFFFF0  }
0x45: {  	s30 =	simm.s32 $0x400;
	v0 =	vor.u32 s1, v0;
	[bflag:$0x0] =	sbarrier.arrive $0xFFFF  }
0x46: {  	[tilespmem:s30], [sflag:$0x2] =	stream.linear.gather [spmem:s4], $0x100, $0x38;
	[tilespmem:$0x590] =	vst v63  }
0x47: {  	_ =	swait.ge [sflag:s29], $0x100  }
0x48: {  	[sflag:s29] =	ssyncset.done $0x0  }
0x49: {  	[sflag:s29] =	ssyncadd.s32 $0xFFFFFF00  }
0x4a: {  	v0 =	vld.idx.msk [tilespmem:v0+s30+$0x0], $0xffff  }
0x4b: {  	v62 =	vld [tilespmem:$0x380]  }
0x4c: {  	v63 =	vld [tilespmem:$0x300];
	_ =	sdelay $0x3  }
0x4d: {  	v0 =	vmax.f32 v62, v0  }
0x4e: {  	v0 =	vmul.f32 v0, v63  }
0x4f: {  	vm15 =	veq.s32 v55, v56  }
0x50: {  	v0 =	vsel vm15, $0x0, v0  }
.Ltmp1:
0x51: {  	s31 =	simm.s32 $0x500;
	s2 =	sadd.s32 s2, s25;
	[tilespmem:$0x500] =	vst v0;
	(pc) =	sbr.rel .LBB2_3-.Ltmp1, $4  }
0x52: {  	[hbm4b:s2+s3] =	stream.linear.scatter [tilespmem:s31], [sflag:$0x2], $0x80, $0x38;
	[tilespmem:$0x590] =	vst v63  }
0x53: {  	_ =	swait.ge [sflag:s29], $0x80  }
0x54: {  	[sflag:s29] =	ssyncset.done $0x0  }
0x55: {  	[sflag:s29] =	ssyncadd.s32 $0xFFFFFF80  }
.LBB2_2:
0x56: {  	[bflag:$0x0] =	sbarrier.arrive $0xFFFF  }
.LBB2_3:
0x57: {  	_ =	sfence.sel $0x180000  }
0x58: {  	[bflag:$0x0] =	sbarrier.arrive $0xFFFF  }
0x59: {  	p0 =	sne.s32 s1, $0x0;
	_ =	strace $0x90000047  }
0x5a: {  	s0 =	sadd.s32 @!p0 $0x100000, s0;
	[bflag:$0x2] =	sbarrier.arrive $0xFFFF  }
0x5b: {  	[sflag:s0] =	ssyncadd.tile.s32 @!p0 $0x1;
	_ =	shalt  }
.Lfunc_end2:
_tile_overlayer_lowered:
.L_overlay_start_2:
0x5c: {  	(tag) =	ssettag $0x2  }
0x5d: {  	s0 =	rddreg [dreg:$0x0];
	s2 =	stileid.u32  }
0x5e: {  	s1 =	rddreg [dreg:$0x1];
	p0 =	sne.s32 s2, $0x0  }
0x5f: {  	s3 =	rddreg [dreg:$0x2];
	[bflag:$0x3] =	sbarrier.arrive $0xFFFF;
	s2 =	simm.s32 @!p0 $0x1C02  }
0x60: {  	[timem:s3], [sflag:s2] =	dma.local @!p0 [hbm:s0], s1  }
0x61: {  	s0 =	simm.s32 @!p0 $0x2  }
0x62: {  	_ =	swait.ge @!p0 [sflag:s0], s1  }
0x63: {  	s1 =	ssub.s32 @!p0 $0x0, s1;
	[sflag:s0] =	ssyncset.done @!p0 $0x0  }
0x64: {  	[sflag:s0] =	ssyncadd.s32 @!p0 s1  }
0x65: {  	[bflag:$0x3] =	sbarrier.arrive $0xFFFF  }
0x66: {  	_ =	shalt  }

</sc_bundles>
